<compile_context>
chip_gen: v7x
topology: tpu7x:2x2x1
jax: 0.10.2.dev20260603
libtpu: 0.0.44.dev20260713+nightly
codegen_flags: <defaults>
</compile_context>

<pallas_src>
import functools

import jax
import jax.numpy as jnp
from jax.experimental import pallas as pl
from jax.experimental.pallas import tpu as pltpu
from jax.experimental.pallas import tpu_sc as plsc

_FEATURES = 192
_FEATURES_PAD = 256
_CODE_FEATURES = 32
_PAGES = 1024
_N_TOKENS = 2048
_BETA = 0.25
_EPS = 1e-12
_TOK_BLK = 2048
_NBLK = _N_TOKENS // _TOK_BLK


def _tc_body(z_ref, cb_ref, w_in_ref, b_in_ref, w_out_ref,
             b_out_ref, idx_ref, loss_ref, p_ref, b_s):
    step = pl.program_id(0)

    @pl.when(step == 0)
    def _prep():
        cb = cb_ref[...]
        cn = cb * jax.lax.rsqrt(
            jnp.mean(cb * cb, axis=1, keepdims=True) + _EPS)
        cnT = cn.T
        c2 = jnp.sum(cnT * cnT, axis=0, keepdims=True)
        b_s[...] = jnp.concatenate([cnT * -2.0, c2], axis=0)
        p = jnp.dot(cn, w_out_ref[...],
                    preferred_element_type=jnp.float32) + b_out_ref[...]
        p_ref[...] = jnp.pad(p, ((0, 0), (0, _FEATURES_PAD - _FEATURES)))

    z = z_ref[...]
    zp = jnp.dot(z, w_in_ref[...],
                 preferred_element_type=jnp.float32) + b_in_ref[...]
    zn = zp * jax.lax.rsqrt(
        jnp.mean(zp * zp, axis=1, keepdims=True) + _EPS)

    zn_aug = jnp.concatenate(
        [zn, jnp.ones((_TOK_BLK, 1), jnp.float32)], axis=1)
    dist = jnp.dot(zn_aug, b_s[...], preferred_element_type=jnp.float32,
                   precision=jax.lax.Precision.HIGHEST)
    m = jnp.min(dist, axis=1, keepdims=True)
    lane = jax.lax.broadcasted_iota(jnp.int32, dist.shape, 1)
    idx = jnp.min(jnp.where(dist == m, lane, _PAGES), axis=1)
    idx_ref[0, 0, :] = idx

    @pl.when(step == 0)
    def _init():
        loss_ref[...] = jnp.zeros_like(loss_ref)

    partial = jnp.sum(zn * zn) + jnp.sum(m)
    loss_ref[...] += jnp.full((1, 1), partial, jnp.float32)

    @pl.when(step == _NBLK - 1)
    def _finish():
        loss_ref[...] *= (1.0 + _BETA) / (_N_TOKENS * _CODE_FEATURES)


_tc_call = pl.pallas_call(
    _tc_body,
    grid=(_NBLK,),
    in_specs=[
        pl.BlockSpec((_TOK_BLK, _FEATURES), lambda i: (i, 0)),
        pl.BlockSpec((_PAGES, _CODE_FEATURES), lambda i: (0, 0)),
        pl.BlockSpec((_FEATURES, _CODE_FEATURES), lambda i: (0, 0)),
        pl.BlockSpec((1, _CODE_FEATURES), lambda i: (0, 0)),
        pl.BlockSpec((_CODE_FEATURES, _FEATURES), lambda i: (0, 0)),
        pl.BlockSpec((1, _FEATURES), lambda i: (0, 0)),
    ],
    out_specs=[
        pl.BlockSpec((1, 1, _TOK_BLK), lambda i: (i, 0, 0)),
        pl.BlockSpec((1, 1), lambda i: (0, 0)),
        pl.BlockSpec((_PAGES, _FEATURES_PAD), lambda i: (0, 0)),
    ],
    out_shape=[
        jax.ShapeDtypeStruct((_NBLK, 1, _TOK_BLK), jnp.int32),
        jax.ShapeDtypeStruct((1, 1), jnp.float32),
        jax.ShapeDtypeStruct((_PAGES, _FEATURES_PAD), jnp.float32),
    ],
    scratch_shapes=[
        pltpu.VMEM((_CODE_FEATURES + 1, _PAGES), jnp.float32),
    ],
)


def _sc_gather_body(nc, bpw, idx_hbm, table_hbm, out_hbm, idx_v, rows_v, sem):
    wid = jax.lax.axis_index("s") * nc + jax.lax.axis_index("c")
    base = wid * bpw
    pltpu.sync_copy(idx_hbm.at[pl.ds(base, bpw)], idx_v)
    pltpu.async_copy(table_hbm.at[idx_v], rows_v, sem).wait()
    pltpu.sync_copy(rows_v, out_hbm.at[pl.ds(base, bpw)])


def _sc_gather(idxes, table):
    info = plsc.get_sparse_core_info()
    nc, ns = info.num_cores, info.num_subcores
    bpw = _N_TOKENS // (nc * ns)
    call = pl.kernel(
        functools.partial(_sc_gather_body, nc, bpw),
        out_type=jax.ShapeDtypeStruct((_N_TOKENS, _FEATURES_PAD), jnp.float32),
        mesh=plsc.VectorSubcoreMesh(core_axis_name="c", subcore_axis_name="s"),
        scratch_types=[
            pltpu.VMEM((bpw,), jnp.int32),
            pltpu.VMEM((bpw, _FEATURES_PAD), jnp.float32),
            pltpu.SemaphoreType.DMA,
        ],
    )
    return call(idxes, table)


def kernel(z, codebook, W_in, b_in, W_out, b_out):
    idx3, loss11, table = _tc_call(
        z, codebook, W_in, b_in.reshape(1, -1), W_out, b_out.reshape(1, -1))
    idxes = idx3.reshape(_N_TOKENS)
    out = _sc_gather(idxes, table)
    return (out[:, :_FEATURES], loss11.reshape(()), idxes)

# --- scband reference (transcript-rebuilt; emitter-appended) ---
"""Pipeline reference for scband-vector-quantiser-33157147525408 (READ-ONLY COPY).

The authoritative reference and input builder live on the scoring server;
editing this copy changes nothing except your own understanding.
"""

import jax, jax.numpy as jnp
import numpy as np

FEATURES = 192
CODE_FEATURES = 32
PAGES = 1024
BETA = 0.25
N_TOKENS = 2048


def normalise(x, axis=-1, eps=1e-12):
    return x * jax.lax.rsqrt(jnp.mean(x ** 2, axis=axis, keepdims=True) + eps)


def setup_inputs(seed: int = 0) -> dict:
    key = jax.random.key(seed)
    k1, k2, k3, k4 = jax.random.split(key, 4)
    z = jax.random.normal(k1, (N_TOKENS, FEATURES), dtype=jnp.float32)
    codebook = jax.random.normal(k2, (PAGES, CODE_FEATURES), dtype=jnp.float32) * 0.02
    W_in = jax.random.normal(k3, (FEATURES, CODE_FEATURES), dtype=jnp.float32) / np.sqrt(FEATURES)
    b_in = jnp.zeros((CODE_FEATURES,), dtype=jnp.float32)
    W_out = jax.random.normal(k4, (CODE_FEATURES, FEATURES), dtype=jnp.float32) / np.sqrt(CODE_FEATURES)
    b_out = jnp.zeros((FEATURES,), dtype=jnp.float32)
    return {"z": z, "codebook": codebook, "W_in": W_in, "b_in": b_in, "W_out": W_out, "b_out": b_out}


def reference(z, codebook, W_in, b_in, W_out, b_out):
    sg = jax.lax.stop_gradient
    # input projection: nn.Dense(code_features)
    zp = z @ W_in + b_in
    # z, codes = normalise(z), normalise(codebook.embedding)
    zn = normalise(zp)
    codes_n = normalise(codebook)
    # euclidean_distance(samples, codes): broadcast [n,1,d] - [1,c,d], sum of squares
    distance = jnp.sum((zn[:, None, :] - codes_n[None, :, :]) ** 2, axis=-1)
    idxes = jnp.argmin(distance, axis=-1)
    # codes = normalise(self.codebook(idxes), axis=-1)  (embedding gather)
    codes_q = normalise(jnp.take(codebook, idxes, axis=0), axis=-1)
    loss = BETA * jnp.mean((sg(zn) - codes_q) ** 2) + jnp.mean((zn - sg(codes_q)) ** 2)
    # straight-through estimator
    codes_st = zn + sg(codes_q - zn)
    out = codes_st @ W_out + b_out
    return (out, loss, idxes)

if __name__ == "__main__":
    import jax
    _d = setup_inputs()
    print(jax.jit(kernel)(*tuple(_d.values())))

</pallas_src>

<mosaic_0001>
#map = affine_map<(d0, d1) -> (0)>
#map1 = affine_map<(d0, d1) -> (0, 0)>
module attributes {stable_mosaic.version = 14 : i64} {
  func.func @_sc_gather_body(%arg0: i32, %arg1: i32, %arg2: memref<2048xi32, #tpu.memory_space<hbm>>, %arg3: memref<1024x256xf32, #tpu.memory_space<hbm>>, %arg4: memref<2048x256xf32, #tpu.memory_space<hbm>>, %arg5: memref<64xi32, #tpu.memory_space<vmem>>, %arg6: memref<64x256xf32, #tpu.memory_space<vmem>>, %arg7: memref<!tpu.dma_semaphore, #tpu.memory_space<semaphore_mem>>) attributes {dimension_semantics = [#tpu.dimension_semantics<core_parallel>, #tpu.dimension_semantics<subcore_parallel>], iteration_bounds = array<i64: 2, 16>, scalar_prefetch = 0 : i64, scratch_operands = 3 : i64, tpu.core_type = #tpu.core_type<sc_vector_subcore>, window_params = [{transform_indices = #map}, {transform_indices = #map1}, {transform_indices = #map1}]} {
    %mul3A = arith.constant 2 : i32
    %mul3A_0 = arith.muli %arg1, %mul3A : i32
    %add3A = arith.addi %mul3A_0, %arg0 : i32
    %mul3A_1 = arith.constant 64 : i32
    %mul3A_2 = arith.muli %add3A, %mul3A_1 : i32
    "tpu.region"() ({
      %run_scoped3A = tpu.sem_alloc : memref<!tpu.dma_semaphore, #tpu.memory_space<semaphore_mem>>
      %dma_start3A_7 = tpu.memref_slice %arg2[%mul3A_2] : memref<2048xi32, #tpu.memory_space<hbm>> -> memref<64xi32, #tpu.memory_space<hbm>>
      %dma_start3A_8 = tpu.memref_slice %arg2[%mul3A_2] : memref<2048xi32, #tpu.memory_space<hbm>> -> memref<64xi32, #tpu.memory_space<hbm>>
      tpu.enqueue_dma source(%dma_start3A_8 : memref<64xi32, #tpu.memory_space<hbm>>) target(%arg5 : memref<64xi32, #tpu.memory_space<vmem>>) target_semaphore(%run_scoped3A : memref<!tpu.dma_semaphore, #tpu.memory_space<semaphore_mem>>)
      %dma_wait3A_9 = tpu.memref_slice %arg2[%mul3A_2] : memref<2048xi32, #tpu.memory_space<hbm>> -> memref<64xi32, #tpu.memory_space<hbm>>
      %dma_wait3A_10 = tpu.memref_slice %arg2[%mul3A_2] : memref<2048xi32, #tpu.memory_space<hbm>> -> memref<64xi32, #tpu.memory_space<hbm>>
      tpu.wait_dma2 semaphore(%run_scoped3A : memref<!tpu.dma_semaphore, #tpu.memory_space<semaphore_mem>>) src(%dma_wait3A_10 : memref<64xi32, #tpu.memory_space<hbm>>) dst(%arg5 : memref<64xi32, #tpu.memory_space<vmem>>)
      tpu.yield
    }) : () -> ()
    %dma_start3A = arith.constant 0 : i32
    %dma_start3A_3 = arith.constant 0 : i32
    %dma_start3A_4 = tpu.memref_slice %arg3[%dma_start3A, %dma_start3A_3] : memref<1024x256xf32, #tpu.memory_space<hbm>> -> memref<1024x256xf32, #tpu.memory_space<hbm>>
    tpu.enqueue_indirect_dma source(%dma_start3A_4 : memref<1024x256xf32, #tpu.memory_space<hbm>>) target(%arg6 : memref<64x256xf32, #tpu.memory_space<vmem>>) offsets(%arg5 : memref<64xi32, #tpu.memory_space<vmem>>) semaphore(%arg7 : memref<!tpu.dma_semaphore, #tpu.memory_space<semaphore_mem>>)
    %dma_wait3A = arith.constant 0 : i32
    %dma_wait3A_5 = arith.constant 0 : i32
    %dma_wait3A_6 = tpu.memref_slice %arg3[%dma_wait3A, %dma_wait3A_5] : memref<1024x256xf32, #tpu.memory_space<hbm>> -> memref<1024x256xf32, #tpu.memory_space<hbm>>
    tpu.wait_indirect_dma semaphore(%arg7 : memref<!tpu.dma_semaphore, #tpu.memory_space<semaphore_mem>>) src(%dma_wait3A_6 : memref<1024x256xf32, #tpu.memory_space<hbm>>) dst(%arg6 : memref<64x256xf32, #tpu.memory_space<vmem>>)
    "tpu.region"() ({
      %run_scoped3A = tpu.sem_alloc : memref<!tpu.dma_semaphore, #tpu.memory_space<semaphore_mem>>
      %dma_start3A_7 = arith.constant 0 : i32
      %dma_start3A_8 = tpu.memref_slice %arg4[%mul3A_2, %dma_start3A_7] : memref<2048x256xf32, #tpu.memory_space<hbm>> -> memref<64x256xf32, #tpu.memory_space<hbm>>
      %dma_start3A_9 = arith.constant 0 : i32
      %dma_start3A_10 = tpu.memref_slice %arg4[%mul3A_2, %dma_start3A_9] : memref<2048x256xf32, #tpu.memory_space<hbm>> -> memref<64x256xf32, #tpu.memory_space<hbm>>
      tpu.enqueue_dma source(%arg6 : memref<64x256xf32, #tpu.memory_space<vmem>>) target(%dma_start3A_10 : memref<64x256xf32, #tpu.memory_space<hbm>>) target_semaphore(%run_scoped3A : memref<!tpu.dma_semaphore, #tpu.memory_space<semaphore_mem>>)
      %dma_wait3A_11 = arith.constant 0 : i32
      %dma_wait3A_12 = tpu.memref_slice %arg4[%mul3A_2, %dma_wait3A_11] : memref<2048x256xf32, #tpu.memory_space<hbm>> -> memref<64x256xf32, #tpu.memory_space<hbm>>
      %dma_wait3A_13 = arith.constant 0 : i32
      %dma_wait3A_14 = tpu.memref_slice %arg4[%mul3A_2, %dma_wait3A_13] : memref<2048x256xf32, #tpu.memory_space<hbm>> -> memref<64x256xf32, #tpu.memory_space<hbm>>
      tpu.wait_dma2 semaphore(%run_scoped3A : memref<!tpu.dma_semaphore, #tpu.memory_space<semaphore_mem>>) src(%arg6 : memref<64x256xf32, #tpu.memory_space<vmem>>) dst(%dma_wait3A_14 : memref<64x256xf32, #tpu.memory_space<hbm>>)
      tpu.yield
    }) : () -> ()
    return
  }
}

module attributes {stable_mosaic.version = 14 : i64} {
  func.func @_tc_body(%arg0: i32, %arg1: memref<2048x192xf32, #tpu.memory_space<vmem>>, %arg2: memref<1024x32xf32, #tpu.memory_space<vmem>>, %arg3: memref<192x32xf32, #tpu.memory_space<vmem>>, %arg4: memref<1x32xf32, #tpu.memory_space<vmem>>, %arg5: memref<32x192xf32, #tpu.memory_space<vmem>>, %arg6: memref<1x192xf32, #tpu.memory_space<vmem>>, %arg7: memref<1x1x2048xi32, #tpu.memory_space<vmem>>, %arg8: memref<1x1xf32, #tpu.memory_space<vmem>>, %arg9: memref<1024x256xf32, #tpu.memory_space<vmem>>, %arg10: memref<33x1024xf32, #tpu.memory_space<vmem>>) attributes {dimension_semantics = [#tpu.dimension_semantics<arbitrary>], iteration_bounds = array<i64: 1>, scalar_prefetch = 0 : i64, scratch_operands = 1 : i64, tpu.core_type = #tpu.core_type<tc>, window_params = [{transform_indices = @transform_0, window_bounds = array<i64: 2048, 192>}, {pipeline_mode = #tpu.pipeline_mode<synchronous>, transform_indices = @transform_1, window_bounds = array<i64: 1024, 32>}, {pipeline_mode = #tpu.pipeline_mode<synchronous>, transform_indices = @transform_2, window_bounds = array<i64: 192, 32>}, {pipeline_mode = #tpu.pipeline_mode<synchronous>, transform_indices = @transform_3, window_bounds = array<i64: 1, 32>}, {pipeline_mode = #tpu.pipeline_mode<synchronous>, transform_indices = @transform_4, window_bounds = array<i64: 32, 192>}, {pipeline_mode = #tpu.pipeline_mode<synchronous>, transform_indices = @transform_5, window_bounds = array<i64: 1, 192>}, {transform_indices = @transform_6, window_bounds = array<i64: 1, 1, 2048>}, {pipeline_mode = #tpu.pipeline_mode<synchronous>, transform_indices = @transform_7, window_bounds = array<i64: 1, 1>}, {pipeline_mode = #tpu.pipeline_mode<synchronous>, transform_indices = @transform_8, window_bounds = array<i64: 1024, 256>}]} {
    %eq3A = arith.constant 0 : i32
    %eq3A_0 = arith.cmpi eq, %arg0, %eq3A : i32
    %convert_element_type3A = arith.extui %eq3A_0 : i1 to i32
    %cond3A = arith.constant 0 : i32
    %cond3A_1 = arith.cmpi ne, %convert_element_type3A, %cond3A : i32
    scf.if %cond3A_1 {
      %get3A_69 = arith.constant 0 : index
      %get3A_70 = arith.constant 0 : index
      %get3A_71 = vector.load %arg2[%get3A_69, %get3A_70] : memref<1024x32xf32, #tpu.memory_space<vmem>>, vector<1024x32xf32>
      %mul3A_72 = arith.mulf %get3A_71, %get3A_71 : vector<1024x32xf32>
      %reduce_sum3A_73 = arith.constant dense<0.000000e+00> : vector<1024xf32>
      %reduce_sum3A_74 = vector.multi_reduction <add>, %mul3A_72, %reduce_sum3A_73 [1] : vector<1024x32xf32> to vector<1024xf32>
      %broadcast_in_dim3A_75 = vector.shape_cast %reduce_sum3A_74 : vector<1024xf32> to vector<1024x1xf32>
      %div3A_76 = arith.constant 3.200000e+01 : f32
      %div3A_77 = vector.broadcast %div3A_76 : f32 to vector<1024x1xf32>
      %div3A_78 = arith.divf %broadcast_in_dim3A_75, %div3A_77 : vector<1024x1xf32>
      %add3A_79 = arith.constant 9.99999996E-13 : f32
      %add3A_80 = vector.broadcast %add3A_79 : f32 to vector<1024x1xf32>
      %add3A_81 = arith.addf %div3A_78, %add3A_80 : vector<1024x1xf32>
      %rsqrt3A_82 = math.rsqrt %add3A_81 : vector<1024x1xf32>
      %mul3A_83 = vector.broadcast %rsqrt3A_82 : vector<1024x1xf32> to vector<1024x32xf32>
      %mul3A_84 = arith.mulf %get3A_71, %mul3A_83 : vector<1024x32xf32>
      %transpose3A = tpu.transpose %mul3A_84, [1, 0] : vector<1024x32xf32> -> vector<32x1024xf32>
      %mul3A_85 = arith.mulf %transpose3A, %transpose3A : vector<32x1024xf32>
      %reduce_sum3A_86 = arith.constant dense<0.000000e+00> : vector<1024xf32>
      %reduce_sum3A_87 = vector.multi_reduction <add>, %mul3A_85, %reduce_sum3A_86 [0] : vector<32x1024xf32> to vector<1024xf32>
      %broadcast_in_dim3A_88 = vector.shape_cast %reduce_sum3A_87 : vector<1024xf32> to vector<1x1024xf32>
      %mul3A_89 = arith.constant -2.000000e+00 : f32
      %mul3A_90 = vector.broadcast %mul3A_89 : f32 to vector<32x1024xf32>
      %mul3A_91 = arith.mulf %transpose3A, %mul3A_90 : vector<32x1024xf32>
      %concatenate3A_92 = tpu.concatenate %mul3A_91, %broadcast_in_dim3A_88 in 0 : vector<32x1024xf32>, vector<1x1024xf32> -> vector<33x1024xf32>
      %swap3A_93 = arith.constant 0 : index
      %swap3A_94 = arith.constant 0 : index
      %swap3A_95 = vector.load %arg10[%swap3A_93, %swap3A_94] : memref<33x1024xf32, #tpu.memory_space<vmem>>, vector<33x1024xf32>
      tpu.vector_store %arg10[%swap3A_93, %swap3A_94], %concatenate3A_92 {strides = array<i32>} : memref<33x1024xf32, #tpu.memory_space<vmem>>, vector<33x1024xf32>,
      %get3A_96 = arith.constant 0 : index
      %get3A_97 = arith.constant 0 : index
      %get3A_98 = vector.load %arg5[%get3A_96, %get3A_97] : memref<32x192xf32, #tpu.memory_space<vmem>>, vector<32x192xf32>
      %dot_general3A_99 = arith.constant dense<0.000000e+00> : vector<1024x192xf32>
      %dot_general3A_100 = tpu.matmul %mul3A_84, %get3A_98, %dot_general3A_99 {dimension_numbers = #tpu.dot_dimension_numbers<[1], [0], [0], [1], [0, 0, 1, 1], [], []>, transpose_lhs_hint = false} : vector<1024x32xf32>, vector<32x192xf32>, vector<1024x192xf32> -> vector<1024x192xf32>
      %get3A_101 = arith.constant 0 : index
      %get3A_102 = arith.constant 0 : index
      %get3A_103 = vector.load %arg6[%get3A_101, %get3A_102] : memref<1x192xf32, #tpu.memory_space<vmem>>, vector<1x192xf32>
      %add3A_104 = vector.broadcast %get3A_103 : vector<1x192xf32> to vector<1024x192xf32>
      %add3A_105 = arith.addf %dot_general3A_100, %add3A_104 : vector<1024x192xf32>
      %jit3A_106 = arith.constant 0 : i32
      %convert_element_type3A_107 = arith.sitofp %jit3A_106 : i32 to f32
      %pad3A = vector.broadcast %convert_element_type3A_107 : f32 to vector<1024x64xf32>
      %pad3A_108 = tpu.concatenate %add3A_105, %pad3A in 1 : vector<1024x192xf32>, vector<1024x64xf32> -> vector<1024x256xf32>
      %swap3A_109 = arith.constant 0 : index
      %swap3A_110 = arith.constant 0 : index
      %swap3A_111 = vector.load %arg9[%swap3A_109, %swap3A_110] : memref<1024x256xf32, #tpu.memory_space<vmem>>, vector<1024x256xf32>
      tpu.vector_store %arg9[%swap3A_109, %swap3A_110], %pad3A_108 {strides = array<i32>} : memref<1024x256xf32, #tpu.memory_space<vmem>>, vector<1024x256xf32>,
    } else {
    }
    %get3A = arith.constant 0 : index
    %get3A_2 = arith.constant 0 : index
    %get3A_3 = vector.load %arg1[%get3A, %get3A_2] : memref<2048x192xf32, #tpu.memory_space<vmem>>, vector<2048x192xf32>
    %get3A_4 = arith.constant 0 : index
    %get3A_5 = arith.constant 0 : index
    %get3A_6 = vector.load %arg3[%get3A_4, %get3A_5] : memref<192x32xf32, #tpu.memory_space<vmem>>, vector<192x32xf32>
    %dot_general3A = arith.constant dense<0.000000e+00> : vector<2048x32xf32>
    %dot_general3A_7 = tpu.matmul %get3A_3, %get3A_6, %dot_general3A {dimension_numbers = #tpu.dot_dimension_numbers<[1], [0], [0], [1], [0, 0, 1, 1], [], []>, transpose_lhs_hint = false} : vector<2048x192xf32>, vector<192x32xf32>, vector<2048x32xf32> -> vector<2048x32xf32>
    %get3A_8 = arith.constant 0 : index
    %get3A_9 = arith.constant 0 : index
    %get3A_10 = vector.load %arg4[%get3A_8, %get3A_9] : memref<1x32xf32, #tpu.memory_space<vmem>>, vector<1x32xf32>
    %add3A = vector.broadcast %get3A_10 : vector<1x32xf32> to vector<2048x32xf32>
    %add3A_11 = arith.addf %dot_general3A_7, %add3A : vector<2048x32xf32>
    %mul3A = arith.mulf %add3A_11, %add3A_11 : vector<2048x32xf32>
    %reduce_sum3A = arith.constant dense<0.000000e+00> : vector<2048xf32>
    %reduce_sum3A_12 = vector.multi_reduction <add>, %mul3A, %reduce_sum3A [1] : vector<2048x32xf32> to vector<2048xf32>
    %broadcast_in_dim3A = vector.shape_cast %reduce_sum3A_12 : vector<2048xf32> to vector<2048x1xf32>
    %div3A = arith.constant 3.200000e+01 : f32
    %div3A_13 = vector.broadcast %div3A : f32 to vector<2048x1xf32>
    %div3A_14 = arith.divf %broadcast_in_dim3A, %div3A_13 : vector<2048x1xf32>
    %add3A_15 = arith.constant 9.99999996E-13 : f32
    %add3A_16 = vector.broadcast %add3A_15 : f32 to vector<2048x1xf32>
    %add3A_17 = arith.addf %div3A_14, %add3A_16 : vector<2048x1xf32>
    %rsqrt3A = math.rsqrt %add3A_17 : vector<2048x1xf32>
    %mul3A_18 = vector.broadcast %rsqrt3A : vector<2048x1xf32> to vector<2048x32xf32>
    %mul3A_19 = arith.mulf %add3A_11, %mul3A_18 : vector<2048x32xf32>
    %broadcast_in_dim3A_20 = arith.constant 1.000000e+00 : f32
    %broadcast_in_dim3A_21 = vector.broadcast %broadcast_in_dim3A_20 : f32 to vector<2048x1xf32>
    %concatenate3A = tpu.concatenate %mul3A_19, %broadcast_in_dim3A_21 in 1 : vector<2048x32xf32>, vector<2048x1xf32> -> vector<2048x33xf32>
    %get3A_22 = arith.constant 0 : index
    %get3A_23 = arith.constant 0 : index
    %get3A_24 = vector.load %arg10[%get3A_22, %get3A_23] : memref<33x1024xf32, #tpu.memory_space<vmem>>, vector<33x1024xf32>
    %dot_general3A_25 = arith.constant dense<0.000000e+00> : vector<2048x1024xf32>
    %dot_general3A_26 = tpu.matmul %concatenate3A, %get3A_24, %dot_general3A_25 {dimension_numbers = #tpu.dot_dimension_numbers<[1], [0], [0], [1], [0, 0, 1, 1], [], []>, precision = #tpu.contract_precision<fp32>, transpose_lhs_hint = false} : vector<2048x33xf32>, vector<33x1024xf32>, vector<2048x1024xf32> -> vector<2048x1024xf32>
    %reduce_min3A = arith.constant dense<0x7F800000> : vector<2048xf32>
    %reduce_min3A_27 = vector.multi_reduction <minimumf>, %dot_general3A_26, %reduce_min3A [1] : vector<2048x1024xf32> to vector<2048xf32>
    %broadcast_in_dim3A_28 = vector.shape_cast %reduce_min3A_27 : vector<2048xf32> to vector<2048x1xf32>
    %iota3A = tpu.iota {dimensions = array<i32: 1>} : vector<2048x1024xi32>
    %eq3A_29 = vector.broadcast %broadcast_in_dim3A_28 : vector<2048x1xf32> to vector<2048x1024xf32>
    %eq3A_30 = arith.cmpf oeq, %dot_general3A_26, %eq3A_29 : vector<2048x1024xf32>
    %jit3A = arith.constant 1024 : i32
    %broadcast_in_dim3A_31 = vector.broadcast %jit3A : i32 to vector<2048x1024xi32>
    %select_n3A = arith.select %eq3A_30, %iota3A, %broadcast_in_dim3A_31 : vector<2048x1024xi1>, vector<2048x1024xi32>
    %reduce_min3A_32 = arith.constant dense<2147483647> : vector<2048xi32>
    %reduce_min3A_33 = vector.multi_reduction <minsi>, %select_n3A, %reduce_min3A_32 [1] : vector<2048x1024xi32> to vector<2048xi32>
    %swap3A = arith.constant 0 : index
    %swap3A_34 = arith.constant 0 : index
    %swap3A_35 = arith.constant 0 : index
    %swap3A_36 = vector.load %arg7[%swap3A, %swap3A_34, %swap3A_35] : memref<1x1x2048xi32, #tpu.memory_space<vmem>>, vector<1x1x2048xi32>
    %swap3A_37 = vector.shape_cast %swap3A_36 : vector<1x1x2048xi32> to vector<2048xi32>
    %swap3A_38 = vector.shape_cast %reduce_min3A_33 : vector<2048xi32> to vector<1x1x2048xi32>
    tpu.vector_store %arg7[%swap3A, %swap3A_34, %swap3A_35], %swap3A_38 {strides = array<i32>} : memref<1x1x2048xi32, #tpu.memory_space<vmem>>, vector<1x1x2048xi32>,
    %eq3A_39 = arith.constant 0 : i32
    %eq3A_40 = arith.cmpi eq, %arg0, %eq3A_39 : i32
    %convert_element_type3A_41 = arith.extui %eq3A_40 : i1 to i32
    %cond3A_42 = arith.constant 0 : i32
    %cond3A_43 = arith.cmpi ne, %convert_element_type3A_41, %cond3A_42 : i32
    scf.if %cond3A_43 {
      %broadcast_in_dim3A_69 = arith.constant 0.000000e+00 : f32
      %broadcast_in_dim3A_70 = vector.broadcast %broadcast_in_dim3A_69 : f32 to vector<1x1xf32>
      %swap3A_71 = arith.constant 0 : index
      %swap3A_72 = arith.constant 0 : index
      %swap3A_73 = vector.load %arg8[%swap3A_71, %swap3A_72] : memref<1x1xf32, #tpu.memory_space<vmem>>, vector<1x1xf32>
      tpu.vector_store %arg8[%swap3A_71, %swap3A_72], %broadcast_in_dim3A_70 {strides = array<i32>} : memref<1x1xf32, #tpu.memory_space<vmem>>, vector<1x1xf32>,
    } else {
    }
    %mul3A_44 = arith.mulf %mul3A_19, %mul3A_19 : vector<2048x32xf32>
    %reduce_sum3A_45 = vector.shape_cast %mul3A_44 : vector<2048x32xf32> to vector<1x2048x32xf32>
    %reduce_sum3A_46 = arith.constant dense<0.000000e+00> : vector<1xf32>
    %reduce_sum3A_47 = vector.multi_reduction <add>, %reduce_sum3A_45, %reduce_sum3A_46 [1, 2] : vector<1x2048x32xf32> to vector<1xf32>
    %reduce_sum3A_48 = vector.shape_cast %reduce_sum3A_47 : vector<1xf32> to vector<1x1x1xf32>
    %reduce_sum3A_49 = vector.extract %reduce_sum3A_48[0, 0, 0] : f32 from vector<1x1x1xf32>
    %reduce_sum3A_50 = vector.shape_cast %broadcast_in_dim3A_28 : vector<2048x1xf32> to vector<1x2048x1xf32>
    %reduce_sum3A_51 = arith.constant dense<0.000000e+00> : vector<1xf32>
    %reduce_sum3A_52 = vector.multi_reduction <add>, %reduce_sum3A_50, %reduce_sum3A_51 [1, 2] : vector<1x2048x1xf32> to vector<1xf32>
    %reduce_sum3A_53 = vector.shape_cast %reduce_sum3A_52 : vector<1xf32> to vector<1x1x1xf32>
    %reduce_sum3A_54 = vector.extract %reduce_sum3A_53[0, 0, 0] : f32 from vector<1x1x1xf32>
    %add3A_55 = arith.addf %reduce_sum3A_49, %reduce_sum3A_54 : f32
    %get3A_56 = arith.constant 0 : index
    %get3A_57 = arith.constant 0 : index
    %get3A_58 = vector.load %arg8[%get3A_56, %get3A_57] : memref<1x1xf32, #tpu.memory_space<vmem>>, vector<1x1xf32>
    %broadcast_in_dim3A_59 = vector.broadcast %add3A_55 : f32 to vector<1x1xf32>
    %add3A_60 = arith.addf %get3A_58, %broadcast_in_dim3A_59 : vector<1x1xf32>
    %swap3A_61 = arith.constant 0 : index
    %swap3A_62 = arith.constant 0 : index
    %swap3A_63 = vector.load %arg8[%swap3A_61, %swap3A_62] : memref<1x1xf32, #tpu.memory_space<vmem>>, vector<1x1xf32>
    tpu.vector_store %arg8[%swap3A_61, %swap3A_62], %add3A_60 {strides = array<i32>} : memref<1x1xf32, #tpu.memory_space<vmem>>, vector<1x1xf32>,
    %eq3A_64 = arith.constant 0 : i32
    %eq3A_65 = arith.cmpi eq, %arg0, %eq3A_64 : i32
    %convert_element_type3A_66 = arith.extui %eq3A_65 : i1 to i32
    %cond3A_67 = arith.constant 0 : i32
    %cond3A_68 = arith.cmpi ne, %convert_element_type3A_66, %cond3A_67 : i32
    scf.if %cond3A_68 {
      %get3A_69 = arith.constant 0 : index
      %get3A_70 = arith.constant 0 : index
      %get3A_71 = vector.load %arg8[%get3A_69, %get3A_70] : memref<1x1xf32, #tpu.memory_space<vmem>>, vector<1x1xf32>
      %mul3A_72 = arith.constant 1.90734863E-5 : f32
      %mul3A_73 = vector.broadcast %mul3A_72 : f32 to vector<1x1xf32>
      %mul3A_74 = arith.mulf %get3A_71, %mul3A_73 : vector<1x1xf32>
      %swap3A_75 = arith.constant 0 : index
      %swap3A_76 = arith.constant 0 : index
      %swap3A_77 = vector.load %arg8[%swap3A_75, %swap3A_76] : memref<1x1xf32, #tpu.memory_space<vmem>>, vector<1x1xf32>
      tpu.vector_store %arg8[%swap3A_75, %swap3A_76], %mul3A_74 {strides = array<i32>} : memref<1x1xf32, #tpu.memory_space<vmem>>, vector<1x1xf32>,
    } else {
    }
    return
  }
  func.func @transform_0(%arg0: i32) -> (i32, i32) {
    %c0_i32 = arith.constant 0 : i32
    %c0_i32_0 = arith.constant 0 : i32
    return %arg0, %c0_i32 : i32, i32
  }
  func.func @transform_1(%arg0: i32) -> (i32, i32) {
    %c0_i32 = arith.constant 0 : i32
    %c0_i32_0 = arith.constant 0 : i32
    %c0_i32_1 = arith.constant 0 : i32
    return %c0_i32, %c0_i32_0 : i32, i32
  }
  func.func @transform_2(%arg0: i32) -> (i32, i32) {
    %c0_i32 = arith.constant 0 : i32
    %c0_i32_0 = arith.constant 0 : i32
    %c0_i32_1 = arith.constant 0 : i32
    return %c0_i32, %c0_i32_0 : i32, i32
  }
  func.func @transform_3(%arg0: i32) -> (i32, i32) {
    %c0_i32 = arith.constant 0 : i32
    %c0_i32_0 = arith.constant 0 : i32
    %c0_i32_1 = arith.constant 0 : i32
    return %c0_i32, %c0_i32_0 : i32, i32
  }
  func.func @transform_4(%arg0: i32) -> (i32, i32) {
    %c0_i32 = arith.constant 0 : i32
    %c0_i32_0 = arith.constant 0 : i32
    %c0_i32_1 = arith.constant 0 : i32
    return %c0_i32, %c0_i32_0 : i32, i32
  }
  func.func @transform_5(%arg0: i32) -> (i32, i32) {
    %c0_i32 = arith.constant 0 : i32
    %c0_i32_0 = arith.constant 0 : i32
    %c0_i32_1 = arith.constant 0 : i32
    return %c0_i32, %c0_i32_0 : i32, i32
  }
  func.func @transform_6(%arg0: i32) -> (i32, i32, i32) {
    %c0_i32 = arith.constant 0 : i32
    %c0_i32_0 = arith.constant 0 : i32
    %c0_i32_1 = arith.constant 0 : i32
    return %arg0, %c0_i32, %c0_i32_0 : i32, i32, i32
  }
  func.func @transform_7(%arg0: i32) -> (i32, i32) {
    %c0_i32 = arith.constant 0 : i32
    %c0_i32_0 = arith.constant 0 : i32
    %c0_i32_1 = arith.constant 0 : i32
    return %c0_i32, %c0_i32_0 : i32, i32
  }
  func.func @transform_8(%arg0: i32) -> (i32, i32) {
    %c0_i32 = arith.constant 0 : i32
    %c0_i32_0 = arith.constant 0 : i32
    %c0_i32_1 = arith.constant 0 : i32
    return %c0_i32, %c0_i32_0 : i32, i32
  }
}

</mosaic_0001>

<sc_bundles>
// kernel: kernel.4.cloned.1.call-start
scs
__scs_entry_jumppad:
0x0: {  	(pc) =	sbr.rel $0x88, $3  }
0x1: {  	(tag) =	ssettag $0x0;
	lr =	simm.s32 $0x1  }
0x2: {  	[smem:$0x3F9B] =	sst lr;
	_ =	strace $0xD0000000  }
0x3: {  	_ = 	snop  }
0x4: {  	_ = 	snop  }
0x5: {  	_ = 	snop  }
0x6: {  	_ = 	snop  }
0x7: {  	_ = 	snop  }
__scs_overlays_trampoline_lowered:
0x8: {  	[smem:$0x3FAA] =	sst s0  }
0x9: {  	[smem:$0x3FAB] =	sst s1  }
0xa: {  	[smem:$0x3FAC] =	sst s2  }
0xb: {  	[smem:$0x3FAD] =	sst s3  }
0xc: {  	[smem:$0x3FAE] =	sst s4  }
0xd: {  	[smem:$0x3FAF] =	sst s5  }
0xe: {  	[smem:$0x3FB0] =	sst s6  }
0xf: {  	[smem:$0x3FB1] =	sst s7  }
0x10: {  	[smem:$0x3FB2] =	sst s8  }
0x11: {  	[smem:$0x3FB3] =	sst s9;
	s0 =	simm.s32 @!p0 $0x0  }
0x12: {  	s1 =	sld [smem:$0x3F99];
	s0 =	simm.s32 @p0 $0x1  }
0x13: {  	[smem:$0x3FB4] =	sst s0;
	s0 =	simm.s32 @!p1 $0x0  }
0x14: {  	s2 =	sld [smem:$0x3F98];
	s0 =	simm.s32 @p1 $0x1  }
0x15: {  	[smem:$0x3FB5] =	sst s0;
	s0 =	simm.s32 @!p2 $0x0  }
0x16: {  	s3 =	sld [smem:$0x3FDB];
	s0 =	simm.s32 @p2 $0x1  }
0x17: {  	s4 =	simm.s32 $0x1BF5;
	[smem:$0x3FB7] =	sst s0  }
0x18: {  	s0 =	sld [smem:$0x3F9A];
	_ =	swait.ge [sflag:s4], $0x0  }
0x19: {  	s7 =	sld [smem:$0x3F9B]  }
0x1a: {  	s8 =	sadd.s32 $0xFFFFE003, lr  }
0x1b: {  	s9 =	sadd.s32 $0xFFFFFEF7, lr;
	s5 =	simm.s32 $0xFFFFFFFF;
	p2 =	slt.u32 s8, $0xFFFFF086  }
0x1c: {  	p1 =	slt.u32 s9, $0xF7A;
	s5 =	simm.s32 @!p2 $0x0  }
0x1d: {  	s5 =	simm.s32 @p1 $0x1;
	p0 =	seq.s32 s7, s2  }
0x1e: {  	s7 =	smul.u32 @!p0 $0xF7A, s2;
	p2 =	seq.s32 @!p0 s5, $0x0  }
0x1f: {  	s9 =	smul.u32 $0xF7A, s1;
	s8 =	simm.s32 @!p0 $0x1BF5;
	p2 =	por !p2, p0  }
0x20: {  	[sflag:s8] =	ssyncset.s32 @!p0 $0xFFFFF086;
	s6 =	sadd.s32 @!p0 s3, s7;
	s7 =	simm.s32 @!p0 $0x108  }
0x21: {  	s3 =	sadd.s32 s3, s9;
	s6 =	sadd.s32 @!p0 $0x88, s6;
	s7 =	simm.s32 @p2 $0x1082  }
0x22: {  	[simem:s7], [sflag:s8] =	dma.local @!p0 [hbm:s6], $0xF7A  }
0x23: {  	s9 =	sor.u32 $0xD0000000, s2;
	s6 =	simm.s32 $0x108;
	_ =	swait.ge @!p0 [sflag:s8], $0x0  }
0x24: {  	s3 =	sadd.s32 $0x88, s3;
	s6 =	simm.s32 @!p1 $0x1082;
	[sflag:s4] =	ssyncset.s32 $0xFFFFF086  }
0x25: {  	[simem:s6], [sflag:s4] =	dma.local [hbm:s3], $0xF7A  }
0x26: {  	[smem:$0x3F9B] =	sst s1;
	(tag) =	ssettag s2;
	_ =	strace s9  }
0x27: {  	s1 =	sld [smem:$0x3FAB]  }
0x28: {  	s2 =	sld [smem:$0x3FAC]  }
0x29: {  	s4 =	sld [smem:$0x3FAE]  }
0x2a: {  	p0 =	seq.s32 s5, $0x0;
	s5 =	sld [smem:$0x3FAF]  }
0x2b: {  	s6 =	sld [smem:$0x3FB0]  }
0x2c: {  	s7 =	sld [smem:$0x3FB1]  }
0x2d: {  	s3 =	simm.s32 $0x108;
	s8 =	sld [smem:$0x3FB2]  }
0x2e: {  	s3 =	simm.s32 @!p0 $0x1082;
	s9 =	sld [smem:$0x3FB3]  }
0x2f: {  	lr =	sadd.s32 s0, s3;
	s0 =	sld [smem:$0x3FAA]  }
0x30: {  	s3 =	sld [smem:$0x3FAD]  }
0x31: {  	[smem:$0x3FB6] =	sst s10  }
0x32: {  	s10 =	sld [smem:$0x3FB4];
	_ =	sdelay $0x3  }
0x33: {  	p0 =	seq.s32 s10, $0x1;
	s10 =	sld [smem:$0x3FB6];
	_ =	sdelay $0x3  }
0x34: {  	[smem:$0x3FB6] =	sst s10  }
0x35: {  	s10 =	sld [smem:$0x3FB5];
	_ =	sdelay $0x3  }
0x36: {  	p1 =	seq.s32 s10, $0x1;
	s10 =	sld [smem:$0x3FB6];
	_ =	sdelay $0x3  }
0x37: {  	[smem:$0x3FB6] =	sst s10  }
0x38: {  	s10 =	sld [smem:$0x3FB7]  }
0x39: {  	_ = 	snop;
	(pc) =	sbr.ind lr, $3  }
0x3a: {  	_ = 	snop  }
0x3b: {  	_ = 	snop  }
0x3c: {  	p2 =	seq.s32 s10, $0x1;
	s10 =	sld [smem:$0x3FB6]  }
0x3d: {  	_ =	shalt  }
0x3e: {  	_ =	shalt  }
0x3f: {  	_ =	shalt  }
0x40: {  	_ =	shalt  }
0x41: {  	_ =	shalt  }
0x42: {  	_ =	shalt  }
0x43: {  	_ =	shalt  }
0x44: {  	_ =	shalt  }
0x45: {  	_ =	shalt  }
0x46: {  	_ =	shalt  }
0x47: {  	_ =	shalt  }
0x48: {  	_ =	shalt  }
0x49: {  	_ =	shalt  }
0x4a: {  	_ =	shalt  }
0x4b: {  	_ =	shalt  }
0x4c: {  	_ =	shalt  }
0x4d: {  	_ =	shalt  }
0x4e: {  	_ =	shalt  }
0x4f: {  	_ =	shalt  }
0x50: {  	_ =	shalt  }
0x51: {  	_ =	shalt  }
0x52: {  	_ =	shalt  }
0x53: {  	_ =	shalt  }
0x54: {  	_ =	shalt  }
0x55: {  	_ =	shalt  }
0x56: {  	_ =	shalt  }
0x57: {  	_ =	shalt  }
0x58: {  	_ =	shalt  }
0x59: {  	_ =	shalt  }
0x5a: {  	_ =	shalt  }
0x5b: {  	_ =	shalt  }
0x5c: {  	_ =	shalt  }
0x5d: {  	_ =	shalt  }
0x5e: {  	_ =	shalt  }
0x5f: {  	_ =	shalt  }
0x60: {  	_ =	shalt  }
0x61: {  	_ =	shalt  }
0x62: {  	_ =	shalt  }
0x63: {  	_ =	shalt  }
0x64: {  	_ =	shalt  }
0x65: {  	_ =	shalt  }
0x66: {  	_ =	shalt  }
0x67: {  	_ =	shalt  }
0x68: {  	_ =	shalt  }
0x69: {  	_ =	shalt  }
0x6a: {  	_ =	shalt  }
0x6b: {  	_ =	shalt  }
0x6c: {  	_ =	shalt  }
0x6d: {  	_ =	shalt  }
0x6e: {  	_ =	shalt  }
0x6f: {  	_ =	shalt  }
0x70: {  	_ =	shalt  }
0x71: {  	_ =	shalt  }
0x72: {  	_ =	shalt  }
0x73: {  	_ =	shalt  }
0x74: {  	_ =	shalt  }
0x75: {  	_ =	shalt  }
0x76: {  	_ =	shalt  }
0x77: {  	_ =	shalt  }
0x78: {  	_ =	shalt  }
0x79: {  	_ =	shalt  }
0x7a: {  	_ =	shalt  }
0x7b: {  	_ =	shalt  }
0x7c: {  	_ =	shalt  }
0x7d: {  	_ =	shalt  }
0x7e: {  	_ =	shalt  }
0x7f: {  	_ =	shalt  }
0x80: {  	_ =	shalt  }
0x81: {  	_ =	shalt  }
0x82: {  	_ =	shalt  }
0x83: {  	_ =	shalt  }
0x84: {  	_ =	shalt  }
0x85: {  	_ =	shalt  }
0x86: {  	_ =	shalt  }
0x87: {  	_ =	shalt  }
.Lfunc_end0:
.L_simem_size_0:
called_computation_lowered:
.L_overlay_start_0:
0x88: {  	s2 =	sld [smem:$0x3FD9]  }
0x89: {  	s3 =	sld [smem:$0x3FFE];
	_ =	sdelay $0x1  }
0x8a: {  	s1 =	srdreg.scid  }
0x8b: {  	s0 =	sand.u32 $0x1, s1  }
0x8c: {  	s14 =	sshll.u32 s0, $0xA;
	s2 =	sadd.s32 s3, s2  }
0x8d: {  	s2 =	sadd.s32 s2, s14  }
0x8e: {  	[smem:$0x3FC2] =	sst s2  }
0x8f: {  	_ = 	snop  }
0x90: {  	s2 =	sld [smem:$0x3FD0];
	_ =	sdelay $0x2  }
0x91: {  	s15 =	simm.s32 $0xA;
	s4 =	simm.s32 $0x10  }
0x92: {  	[smem:s4], [sflag:s15] =	dma.local [hbm:s2], $0x1  }
0x93: {  	_ =	swait.eq [sflag:s15], $0x1  }
0x94: {  	[sflag:s15] =	ssyncset.done $0x0  }
0x95: {  	s16 =	sld [smem:$0x10];
	[sflag:s15] =	ssyncadd.s32 $0xFFFFFFFF  }
0x96: {  	s17 =	sld [smem:$0x12];
	(tm) =	ssettm $0x1  }
0x97: {  	s18 =	sld [smem:$0x3FFB];
	_ =	sdelay $0x3  }
0x98: {  	_ =	strace s18  }
0x99: {  	s4 =	sld [smem:$0x3FFC];
	_ =	sdelay $0x3  }
0x9a: {  	_ =	strace s4  }
0x9b: {  	s4 =	sld [smem:$0x3FFD];
	_ =	sdelay $0x3  }
0x9c: {  	_ =	strace s4  }
0x9d: {  	_ =	strace $0x8FFFFFFF  }
0x9e: {  	s19 =	sld [smem:$0x3FDB];
	_ =	sdelay $0x1  }
0x9f: {  	s5 =	simm.s32 $_scs_section_size  }
0xa0: {  	s6 =	simm.s32 $_size__tile_overlayer_lowered;
	s7 =	simm.s32 $_tile_overlayer_lowered  }
0xa1: {  	s22 =	simm.s32 $0x1BFF;
	s21 =	sshll.u32 s7, $0x1;
	s4 =	sadd.s32 s5, s19  }
0xa2: {  	s8 =	simm.s32 $0x0;
	s20 =	sshll.u32 s6, $0x1;
	s6 =	sadd.s32 s21, s4  }
0xa3: {  	[timem:s8], [sflag:s22] =	dma.local [hbm:s6], s20  }
0xa4: {  	_ =	swait.ge [sflag:s22], s20  }
0xa5: {  	s5 =	ssub.s32 $0x0, s20;
	[sflag:s22] =	ssyncset.done $0x0  }
0xa6: {  	[sflag:s22] =	ssyncadd.s32 s5;
	_ =	sdelay $0x1  }
0xa7: {  	s23 =	simm.s32 $0x1B8B  }
0xa8: {  	_ =	swait.ge [sflag:s23], $0x1  }
0xa9: {  	[sflag:s23] =	ssyncset.done $0x0  }
0xaa: {  	s25 =	simm.s32 $0x1B8E;
	s24 =	sld [smem:$0x3FFE];
	[sflag:s23] =	ssyncadd.s32 $0xFFFFFFFF  }
0xab: {  	s26 =	simm.s32 $execute0_lowered;
	[smem:$0x3FD2] =	sst s25  }
0xac: {  	s6 =	sshll.u32 s26, $0x1;
	_ =	strace $0x80000046;
	[dreg:$0x1] =	wrdreg $0xFFFFFFFF  }
0xad: {  	s28 =	simm.s32 $_size_execute0_lowered;
	s4 =	sadd.s32 s4, s6;
	[dreg:$0x0] =	wrdreg $0x0  }
0xae: {  	s6 =	sshll.u32 s28, $0x1;
	[dreg:$0x2] =	wrdreg s4  }
0xaf: {  	[dreg:$0x3] =	wrdreg s6  }
0xb0: {  	[dreg:$0x4] =	wrdreg $0xC0  }
0xb1: {  	_ =	task [dreg:s8], $0x5FFFF  }
0xb2: {  	[dreg:$0x1] =	wrdreg $0xFFFFFFFF  }
0xb3: {  	[dreg:$0x0] =	wrdreg $0x60  }
0xb4: {  	[dreg:$0x2] =	wrdreg s17  }
0xb5: {  	[dreg:$0x3] =	wrdreg s16  }
0xb6: {  	[dreg:$0x4] =	wrdreg s24  }
0xb7: {  	[dreg:$0x5] =	wrdreg $0x9  }
0xb8: {  	_ =	task.clear_ibuf [dreg:s8], $0x6FFFF;
	_ =	strace $0x90000046  }
0xb9: {  	s29 =	simm.s32 $0x9;
	_ =	strace $0x80000048  }
0xba: {  	_ =	swait.ge [sflag:s29], $0x1  }
0xbb: {  	[sflag:s29] =	ssyncadd.s32 $0xFFFFFFFF  }
0xbc: {  	_ =	strace $0x90000048  }
0xbd: {  	_ =	sfence  }
0xbe: {  	s30 =	sld [smem:$0x0];
	_ =	sdelay $0x2  }
0xbf: {  	s31 =	sshll.u32 s1, $0xD;
	s1 =	sshrl.u32 s1, $0x2  }
0xc0: {  	s3 =	sand.u32 $0x4000, s31;
	s1 =	sadd.s32 s1, s30  }
0xc1: {  	s0 =	sor.u32 s3, s0;
	s1 =	sshll.u32 s1, $0x11  }
0xc2: {  	s0 =	sor.u32 s1, s0  }
0xc3: {  	s0 =	sadd.s32 $0x8F2B, s0  }
0xc4: {  	[sflag:s0] =	ssyncadd.remote.s32 $0x1  }
0xc5: {  	_ =	sfence.sel $0xFFFF  }
0xc6: {  	[dreg:$0x0] =	wrdreg $0xFFFFFFFF;
	(pc) =	sbr.abs _section_cstart, $3  }
0xc7: {  	[dreg:$0x1] =	wrdreg $0xFFFFFFFF  }
0xc8: {  	_ =	task.clear_ibuf [dreg:s8], $0x2FFFF;
	_ =	strace $0x9FFFFFFF  }
0xc9: {  	(tm) =	ssettm $0x7FFFFFFF  }
tec
execute0_lowered:
.L_overlay_start_1:
0x0: {  	(tag) =	ssettag $0x1  }
0x1: {  	s4 =	rddreg [dreg:$0x0]  }
0x2: {  	s1 =	rddreg [dreg:$0x1]  }
0x3: {  	s5 =	rddreg [dreg:$0x2]  }
0x4: {  	s0 =	rddreg [dreg:$0x3];
	s6 =	srdreg.scid  }
0x5: {  	s3 =	simm.s32 $0x0;
	s2 =	stileid.u32;
	s10 =	simm.s32 $0x1080  }
0x6: {  	s11 =	simm.s32 $0x1880;
	s12 =	simm.s32 $0x2080;
	s13 =	simm.s32 $0x2880  }
0x7: {  	s14 =	simm.s32 $0x3080;
	s15 =	simm.s32 $0x3880;
	s6 =	sand.u32 $0x1, s6  }
0x8: {  	s16 =	simm.s32 $0x1;
	s7 =	sshll.u32 s2, $0x7;
	s8 =	sshll.u32 s6, $0x6  }
0x9: {  	[smem:$0x7FF] =	sst s3;
	s6 =	ssub.s32 $0x2, s6;
	s7 =	sor.u32 s8, s7  }
0xa: {  	_ =	strace $0x80000047;
	s9 =	sshrl.u32 s6, $0x1;
	s8 =	sshll.u32 s7, $0x5  }
0xb: {  	v2 =	vlaneseq.u32;
	s7 =	sshrl.u32 s7, $0x3;
	s6 =	ssub.s32 s6, s9;
	s9 =	simm.s32 $0x880  }
0xc: {  	vm0 =	vmmov $0xffff;
	v1 =	vshrl.u32 v2, $0x3;
	s5 =	sadd.s32 s8, s5;
	s4 =	sadd.s32 s4, s7;
	s6 =	smax.u32 s6, $0x1  }
0xd: {  	v0 =	vand.u32 $0x7, v2;
	v2 =	vor.u32 $0x8, v2;
	v1 =	vmul.u32 $0x8, v1;
	s7 =	simm.s32 $0x2;
	s8 =	simm.s32 $0x80;
	s5 =	sadd.s32 $0xE00, s5  }
.LBB2_1:
0xe: {  	[tilespmem:s3], [sflag:$0x2] =	stream.linear.gather [hbm4b:s4+s3], $0x40, $0x38;
	[tilespmem:$0x4080] =	vst v63  }
0xf: {  	_ =	swait.ge [sflag:s7], $0x40  }
0x10: {  	[sflag:s7] =	ssyncset.done $0x0  }
0x11: {  	[sflag:s7] =	ssyncadd.s32 $0xFFFFFFC0  }
0x12: {  	v3 =	vld [tilespmem:$0x0];
	_ =	sdelay $0x4  }
0x13: {  	v4 =	vshll.u32 v3, $0x1  }
0x14: {  	v3 =	vand.u32 $0x7, v3;
	v4 =	vand.u32 $0xFFFFFFF0, v4  }
0x15: {  	v3 =	vor.u32 v3, v4  }
0x16: {  	v4 =	vperm.xlane v3, v0;
	_ =	sdelay $0x1  }
0x17: {  	v3 =	vperm.xlane v3, v2;
	v4 =	vadd.s32 v1, v4;
	_ =	sdelay $0x1  }
0x18: {  	v3 =	vadd.s32 v1, v3;
	_ =	sdelay $0x2  }
0x19: {  	[tilespmem:s8], [sflag:$0x1] =	stream.indirect_vreg.gather [hbm4b:s1+s3], $0x80, v4, vm0, $0xb8;
	[tilespmem:$0x4080] =	vst v63  }
0x1a: {  	_ = 	snop  }
0x1b: {  	[tilespmem:s9], [sflag:$0x1] =	stream.indirect_vreg.gather [hbm4b:s1+s3], $0x80, v3, vm0, $0xb8;
	[tilespmem:$0x4080] =	vst v63  }
0x1c: {  	v3 =	vld [tilespmem:$0x10];
	_ =	sdelay $0x4  }
0x1d: {  	v61 =	vshll.u32 v3, $0x1  }
0x1e: {  	v3 =	vand.u32 $0x7, v3;
	v4 =	vand.u32 $0xFFFFFFF0, v61  }
0x1f: {  	v3 =	vor.u32 v3, v4  }
0x20: {  	v4 =	vperm.xlane v3, v0;
	_ =	sdelay $0x1  }
0x21: {  	v3 =	vperm.xlane v3, v2;
	v4 =	vadd.s32 v1, v4;
	_ =	sdelay $0x1  }
0x22: {  	v3 =	vadd.s32 v1, v3;
	_ =	sdelay $0x2  }
0x23: {  	[tilespmem:s10], [sflag:$0x1] =	stream.indirect_vreg.gather [hbm4b:s1+s3], $0x80, v4, vm0, $0xb8;
	[tilespmem:$0x4080] =	vst v63  }
0x24: {  	_ = 	snop  }
0x25: {  	[tilespmem:s11], [sflag:$0x1] =	stream.indirect_vreg.gather [hbm4b:s1+s3], $0x80, v3, vm0, $0xb8;
	[tilespmem:$0x4080] =	vst v63  }
0x26: {  	v3 =	vld [tilespmem:$0x20];
	_ =	sdelay $0x4  }
0x27: {  	v62 =	vshll.u32 v3, $0x1  }
0x28: {  	v3 =	vand.u32 $0x7, v3;
	v4 =	vand.u32 $0xFFFFFFF0, v62  }
0x29: {  	v3 =	vor.u32 v3, v4  }
0x2a: {  	v4 =	vperm.xlane v3, v0;
	_ =	sdelay $0x1  }
0x2b: {  	v3 =	vperm.xlane v3, v2;
	v4 =	vadd.s32 v1, v4;
	_ =	sdelay $0x1  }
0x2c: {  	v3 =	vadd.s32 v1, v3;
	_ =	sdelay $0x2  }
0x2d: {  	[tilespmem:s12], [sflag:$0x1] =	stream.indirect_vreg.gather [hbm4b:s1+s3], $0x80, v4, vm0, $0xb8;
	[tilespmem:$0x4080] =	vst v63  }
0x2e: {  	_ = 	snop  }
0x2f: {  	[tilespmem:s13], [sflag:$0x1] =	stream.indirect_vreg.gather [hbm4b:s1+s3], $0x80, v3, vm0, $0xb8;
	[tilespmem:$0x4080] =	vst v63  }
0x30: {  	v3 =	vld [tilespmem:$0x30];
	_ =	sdelay $0x4  }
0x31: {  	v63 =	vshll.u32 v3, $0x1  }
0x32: {  	v3 =	vand.u32 $0x7, v3;
	v4 =	vand.u32 $0xFFFFFFF0, v63  }
0x33: {  	v3 =	vor.u32 v3, v4  }
0x34: {  	v4 =	vperm.xlane v3, v0;
	_ =	sdelay $0x1  }
0x35: {  	v3 =	vperm.xlane v3, v2;
	v4 =	vadd.s32 v1, v4;
	_ =	sdelay $0x1  }
0x36: {  	v3 =	vadd.s32 v1, v3;
	_ =	sdelay $0x2  }
0x37: {  	[tilespmem:s14], [sflag:$0x1] =	stream.indirect_vreg.gather [hbm4b:s1+s3], $0x80, v4, vm0, $0xb8;
	[tilespmem:$0x4080] =	vst v63  }
0x38: {  	_ = 	snop  }
0x39: {  	[tilespmem:s15], [sflag:$0x1] =	stream.indirect_vreg.gather [hbm4b:s1+s3], $0x80, v3, vm0, $0xb8;
	[tilespmem:$0x4080] =	vst v63  }
0x3a: {  	_ =	swait.ge [sflag:s16], $0x4000  }
0x3b: {  	p0 =	sne.s32 s6, $0x1;
	[sflag:s16] =	ssyncset.done $0x0  }
.Ltmp0:
0x3c: {  	[sflag:s16] =	ssyncadd.s32 $0xFFFFC000;
	(pc) =	sbr.rel @p0 .LBB2_1-.Ltmp0, $4  }
0x3d: {  	[hbm4b:s5+s3] =	stream.linear.scatter [tilespmem:s8], [sflag:$0x2], $0x4000, $0x38;
	[tilespmem:$0x4080] =	vst v63  }
0x3e: {  	_ =	swait.ge [sflag:s7], $0x4000  }
0x3f: {  	[sflag:s7] =	ssyncset.done $0x0  }
0x40: {  	s6 =	sadd.s32 $0xFFFFFFFF, s6;
	[sflag:s7] =	ssyncadd.s32 $0xFFFFC000  }
0x41: {  	_ =	sfence.sel $0x180000  }
0x42: {  	[bflag:$0x0] =	sbarrier.arrive $0xFFFF  }
0x43: {  	p0 =	sne.s32 s2, $0x0;
	_ =	strace $0x90000047  }
0x44: {  	s0 =	sadd.s32 @!p0 $0x100000, s0;
	[bflag:$0x2] =	sbarrier.arrive $0xFFFF  }
0x45: {  	[sflag:s0] =	ssyncadd.tile.s32 @!p0 $0x1;
	_ =	shalt  }
.Lfunc_end2:
_tile_overlayer_lowered:
.L_overlay_start_2:
0x46: {  	(tag) =	ssettag $0x2  }
0x47: {  	s0 =	rddreg [dreg:$0x0];
	s2 =	stileid.u32  }
0x48: {  	s1 =	rddreg [dreg:$0x1];
	p0 =	sne.s32 s2, $0x0  }
0x49: {  	s3 =	rddreg [dreg:$0x2];
	[bflag:$0x3] =	sbarrier.arrive $0xFFFF;
	s2 =	simm.s32 @!p0 $0x1C02  }
0x4a: {  	[timem:s3], [sflag:s2] =	dma.local @!p0 [hbm:s0], s1  }
0x4b: {  	s0 =	simm.s32 @!p0 $0x2  }
0x4c: {  	_ =	swait.ge @!p0 [sflag:s0], s1  }
0x4d: {  	s1 =	ssub.s32 @!p0 $0x0, s1;
	[sflag:s0] =	ssyncset.done @!p0 $0x0  }
0x4e: {  	[sflag:s0] =	ssyncadd.s32 @!p0 s1  }
0x4f: {  	[bflag:$0x3] =	sbarrier.arrive $0xFFFF  }
0x50: {  	_ =	shalt  }

</sc_bundles>
